<compile_context>
chip_gen: v7x
topology: tpu7x:2x2x1
jax: 0.10.2.dev20260603
libtpu: 0.0.44.dev20260713+nightly
codegen_flags: <defaults>
</compile_context>

<pallas_src>
import functools

import jax
import jax.numpy as jnp
from jax import lax
from jax.experimental import pallas as pl
from jax.experimental.pallas import tpu as pltpu
from jax.experimental.pallas import tpu_sc as plsc


def _sc_gather(cidx, pidx, ctab, ptab):
    B = cidx.shape[0]
    info = plsc.get_sparse_core_info()
    nc, ns = info.num_cores, info.num_subcores
    nw = nc * ns
    bpw = B // nw
    cd = ctab.shape[1]
    pd = ptab.shape[1]
    mesh = plsc.VectorSubcoreMesh(core_axis_name="c", subcore_axis_name="s")

    @functools.partial(
        pl.kernel,
        mesh=mesh,
        out_type=(
            jax.ShapeDtypeStruct((B, cd), jnp.float32),
            jax.ShapeDtypeStruct((B, pd), jnp.float32),
        ),
        scratch_types=[
            pltpu.VMEM((bpw,), jnp.int32),
            pltpu.VMEM((bpw,), jnp.int32),
            pltpu.VMEM((bpw, cd), jnp.float32),
            pltpu.VMEM((bpw, pd), jnp.float32),
            pltpu.SemaphoreType.DMA,
            pltpu.SemaphoreType.DMA,
        ],
        compiler_params=pltpu.CompilerParams(use_tc_tiling_on_sc=False),
    )
    def k(ctab_hbm, ptab_hbm, cidx_hbm, pidx_hbm, cout_hbm, pout_hbm,
          cidx_v, pidx_v, crows_v, prows_v, csem, psem):
        wid = lax.axis_index("s") * nc + lax.axis_index("c")
        base = wid * bpw
        pltpu.sync_copy(cidx_hbm.at[pl.ds(base, bpw)], cidx_v)
        pltpu.sync_copy(pidx_hbm.at[pl.ds(base, bpw)], pidx_v)
        g1 = pltpu.async_copy(ctab_hbm.at[cidx_v], crows_v, csem)
        g2 = pltpu.async_copy(ptab_hbm.at[pidx_v], prows_v, psem)
        g1.wait()
        pltpu.sync_copy(crows_v, cout_hbm.at[pl.ds(base, bpw)])
        g2.wait()
        pltpu.sync_copy(prows_v, pout_hbm.at[pl.ds(base, bpw)])

    return k(ctab, ptab, cidx, pidx)


def _mux_select(rows, sel, out_w):
    x = rows
    nch = x.shape[1] // out_w
    while nch > 1:
        half = nch // 2
        cond = sel >= half
        x = jnp.where(cond, x[:, half * out_w:], x[:, :half * out_w])
        sel = jnp.where(cond, sel - half, sel)
        nch = half
    return x


def _tc_body(ce_ref, pe_ref, off_ref, dpf_ref,
             wat_ref, ba_ref, tcat_ref, wct_ref, bc_ref, wot_ref, bo_ref,
             cand_ref, offl_ref):
    ce = ce_ref[...]
    pe = pe_ref[...]
    ctx = jnp.concatenate([ce, pe], axis=1)
    logits = jnp.dot(ctx.astype(jnp.bfloat16), wat_ref[...],
                     preferred_element_type=jnp.float32)
    logits = logits + ba_ref[...]
    m = jnp.max(logits, axis=1, keepdims=True)
    e = jnp.exp(logits - m)
    w = e * (1.0 / jnp.sum(e, axis=1, keepdims=True))
    z = jnp.dot(w.astype(jnp.bfloat16), tcat_ref[...],
                preferred_element_type=jnp.float32)
    zoff = _mux_select(z, off_ref[...], 32)
    comb = jnp.concatenate([ce, zoff, pe, dpf_ref[...]], axis=1)
    cand_ref[...] = (
        jnp.dot(comb, wct_ref[...], preferred_element_type=jnp.float32)
        + bc_ref[...])
    offl_ref[...] = (
        jnp.dot(comb, wot_ref[...], preferred_element_type=jnp.float32)
        + bo_ref[...])


def _tc_dense(ce, pe, off, dpf,
              wat, ba, tcat, wct, bc, wot, bo, bt=2048):
    B = ce.shape[0]
    grid = B // bt
    row = lambda i: (i, 0)
    fixed = lambda i: (0, 0)
    return pl.pallas_call(
        _tc_body,
        grid=(grid,),
        in_specs=[
            pl.BlockSpec((bt, ce.shape[1]), row),
            pl.BlockSpec((bt, pe.shape[1]), row),
            pl.BlockSpec((bt, 1), row),
            pl.BlockSpec((bt, dpf.shape[1]), row),
            pl.BlockSpec(wat.shape, fixed),
            pl.BlockSpec(ba.shape, fixed),
            pl.BlockSpec(tcat.shape, fixed),
            pl.BlockSpec(wct.shape, fixed),
            pl.BlockSpec(bc.shape, fixed),
            pl.BlockSpec(wot.shape, fixed),
            pl.BlockSpec(bo.shape, fixed),
        ],
        out_specs=[
            pl.BlockSpec((bt, wct.shape[1]), row),
            pl.BlockSpec((bt, wot.shape[1]), row),
        ],
        out_shape=[
            jax.ShapeDtypeStruct((B, wct.shape[1]), jnp.float32),
            jax.ShapeDtypeStruct((B, wot.shape[1]), jnp.float32),
        ],
    )(ce, pe, off, dpf, wat, ba, tcat, wct, bc, wot, bo)


def kernel(cluster_history, offset_history, pc, dpf_vectors, cluster_table,
           pc_table, offset_table, Wa, ba, Wc, bc, Wo, bo):
    B = cluster_history.shape[0]
    cd = cluster_table.shape[1]
    n_off, ecd = offset_table.shape
    E = Wa.shape[0]

    cidx = cluster_history.reshape(B).astype(jnp.int32)
    pidx = pc.reshape(B).astype(jnp.int32)
    ce, pe = _sc_gather(cidx, pidx, cluster_table, pc_table)

    tcat = offset_table.reshape(n_off, E, cd).transpose(1, 0, 2)
    tcat = tcat.reshape(E, n_off * cd).astype(jnp.bfloat16)

    off = offset_history.reshape(B, 1).astype(jnp.int32)
    dpf = dpf_vectors.reshape(B, -1)
    cand, offl = _tc_dense(
        ce, pe, off, dpf,
        Wa.T.astype(jnp.bfloat16), ba.reshape(1, -1), tcat,
        Wc.T, bc.reshape(1, -1), Wo.T, bo.reshape(1, -1))
    return (cand, offl)

# --- scband reference (transcript-rebuilt; emitter-appended) ---
"""Pipeline reference for scband-tlite-model-57423712747804 (READ-ONLY COPY).

The authoritative reference and input builder live on the scoring server;
editing this copy changes nothing except your own understanding.
"""

import jax, jax.numpy as jnp
import numpy as np

B = 16384
H = 1            # history_len
NC = 4           # n_candidates
DPF = 1          # dpf_history_len
PC_DIM = 64
CD = 32          # cluster_dim
E = 100          # offset_expert_count
NCL = 100000     # n_clusters
INPUT_DIM = H * CD + H * CD + PC_DIM + H * NC * DPF  # 132


def setup_inputs(seed: int = 0) -> dict:
    key = jax.random.key(seed)
    ks = jax.random.split(key, 14)
    cluster_history = jax.random.randint(ks[0], (B, H), 0, NCL)
    offset_history = jax.random.randint(ks[1], (B, H), 0, 64)
    pc = jax.random.randint(ks[2], (B,), 0, 4096)
    dpf_vectors = jax.random.uniform(ks[3], (B, H, DPF, NC), dtype=jnp.float32)
    cluster_table = jax.random.normal(ks[4], (NCL, CD), dtype=jnp.float32) * 0.02
    pc_table = jax.random.normal(ks[5], (4096, PC_DIM), dtype=jnp.float32) * 0.02
    offset_table = jax.random.normal(ks[6], (64, E * CD), dtype=jnp.float32) * 0.02
    Wa = jax.random.normal(ks[7], (E, CD + PC_DIM), dtype=jnp.float32) * 0.02
    ba = jnp.zeros((E,), dtype=jnp.float32)
    Wc = jax.random.normal(ks[8], (NC + 1, INPUT_DIM), dtype=jnp.float32) * 0.02
    bc = jnp.zeros((NC + 1,), dtype=jnp.float32)
    Wo = jax.random.normal(ks[9], (64, INPUT_DIM), dtype=jnp.float32) * 0.02
    bo = jnp.zeros((64,), dtype=jnp.float32)
    return {
        "cluster_history": cluster_history,
        "offset_history": offset_history,
        "pc": pc,
        "dpf_vectors": dpf_vectors,
        "cluster_table": cluster_table,
        "pc_table": pc_table,
        "offset_table": offset_table,
        "Wa": Wa, "ba": ba,
        "Wc": Wc, "bc": bc,
        "Wo": Wo, "bo": bo,
    }


def reference(cluster_history, offset_history, pc, dpf_vectors,
              cluster_table, pc_table, offset_table,
              Wa, ba, Wc, bc, Wo, bo):
    batch = cluster_history.shape[0]
    # embedding lookups (gathers)
    cluster_embeds = jnp.take(cluster_table, cluster_history, axis=0)   # [B, H, CD]
    pc_embed = jnp.take(pc_table, pc, axis=0)                           # [B, PC_DIM]
    offset_embeds = jnp.take(offset_table, offset_history, axis=0)     # [B, H, E*CD]
    offset_embeds = offset_embeds.reshape(batch, H, E, CD)
    # context-aware mixture of offset experts
    context = jnp.concatenate([cluster_embeds.reshape(batch, -1), pc_embed], axis=1)  # [B, CD+PC_DIM]
    expert_logits = context @ Wa.T + ba                                  # [B, E]
    expert_weights = jax.nn.softmax(expert_logits, axis=1)
    expert_weights = expert_weights.reshape(batch, 1, E, 1)
    context_aware_offset_embeds = jnp.sum(offset_embeds * expert_weights, axis=2)  # [B, H, CD]
    # combine
    dpf_flat = dpf_vectors.reshape(batch, -1)
    combined = jnp.concatenate([
        cluster_embeds.reshape(batch, -1),
        context_aware_offset_embeds.reshape(batch, -1),
        pc_embed,
        dpf_flat,
    ], axis=1)                                                          # [B, INPUT_DIM]
    candidate_logits = combined @ Wc.T + bc                              # [B, NC+1]
    offset_logits = combined @ Wo.T + bo                                 # [B, 64]
    return (candidate_logits, offset_logits)

if __name__ == "__main__":
    import jax
    _d = setup_inputs()
    print(jax.jit(kernel)(*tuple(_d.values())))

</pallas_src>

<mosaic_0001>
#map = affine_map<(d0, d1) -> (0, 0)>
#map1 = affine_map<(d0, d1) -> (0)>
module attributes {stable_mosaic.version = 14 : i64} {
  func.func @k(%arg0: i32, %arg1: i32, %arg2: memref<100000x32xf32, #tpu.memory_space<hbm>>, %arg3: memref<4096x64xf32, #tpu.memory_space<hbm>>, %arg4: memref<16384xi32, #tpu.memory_space<hbm>>, %arg5: memref<16384xi32, #tpu.memory_space<hbm>>, %arg6: memref<16384x32xf32, #tpu.memory_space<hbm>>, %arg7: memref<16384x64xf32, #tpu.memory_space<hbm>>, %arg8: memref<512xi32, #tpu.memory_space<vmem>>, %arg9: memref<512xi32, #tpu.memory_space<vmem>>, %arg10: memref<512x32xf32, #tpu.memory_space<vmem>>, %arg11: memref<512x64xf32, #tpu.memory_space<vmem>>, %arg12: memref<!tpu.dma_semaphore, #tpu.memory_space<semaphore_mem>>, %arg13: memref<!tpu.dma_semaphore, #tpu.memory_space<semaphore_mem>>) attributes {dimension_semantics = [#tpu.dimension_semantics<core_parallel>, #tpu.dimension_semantics<subcore_parallel>], iteration_bounds = array<i64: 2, 16>, scalar_prefetch = 0 : i64, scratch_operands = 6 : i64, tpu.core_type = #tpu.core_type<sc_vector_subcore>, window_params = [{transform_indices = #map}, {transform_indices = #map}, {transform_indices = #map1}, {transform_indices = #map1}, {transform_indices = #map}, {transform_indices = #map}]} {
    %mul3A = arith.constant 2 : i32
    %mul3A_0 = arith.muli %arg1, %mul3A : i32
    %add3A = arith.addi %mul3A_0, %arg0 : i32
    %mul3A_1 = arith.constant 512 : i32
    %mul3A_2 = arith.muli %add3A, %mul3A_1 : i32
    "tpu.region"() ({
      %run_scoped3A = tpu.sem_alloc : memref<!tpu.dma_semaphore, #tpu.memory_space<semaphore_mem>>
      %dma_start3A_13 = tpu.memref_slice %arg4[%mul3A_2] : memref<16384xi32, #tpu.memory_space<hbm>> -> memref<512xi32, #tpu.memory_space<hbm>>
      %dma_start3A_14 = tpu.memref_slice %arg4[%mul3A_2] : memref<16384xi32, #tpu.memory_space<hbm>> -> memref<512xi32, #tpu.memory_space<hbm>>
      tpu.enqueue_dma source(%dma_start3A_14 : memref<512xi32, #tpu.memory_space<hbm>>) target(%arg8 : memref<512xi32, #tpu.memory_space<vmem>>) target_semaphore(%run_scoped3A : memref<!tpu.dma_semaphore, #tpu.memory_space<semaphore_mem>>)
      %dma_wait3A_15 = tpu.memref_slice %arg4[%mul3A_2] : memref<16384xi32, #tpu.memory_space<hbm>> -> memref<512xi32, #tpu.memory_space<hbm>>
      %dma_wait3A_16 = tpu.memref_slice %arg4[%mul3A_2] : memref<16384xi32, #tpu.memory_space<hbm>> -> memref<512xi32, #tpu.memory_space<hbm>>
      tpu.wait_dma2 semaphore(%run_scoped3A : memref<!tpu.dma_semaphore, #tpu.memory_space<semaphore_mem>>) src(%dma_wait3A_16 : memref<512xi32, #tpu.memory_space<hbm>>) dst(%arg8 : memref<512xi32, #tpu.memory_space<vmem>>)
      tpu.yield
    }) : () -> ()
    "tpu.region"() ({
      %run_scoped3A = tpu.sem_alloc : memref<!tpu.dma_semaphore, #tpu.memory_space<semaphore_mem>>
      %dma_start3A_13 = tpu.memref_slice %arg5[%mul3A_2] : memref<16384xi32, #tpu.memory_space<hbm>> -> memref<512xi32, #tpu.memory_space<hbm>>
      %dma_start3A_14 = tpu.memref_slice %arg5[%mul3A_2] : memref<16384xi32, #tpu.memory_space<hbm>> -> memref<512xi32, #tpu.memory_space<hbm>>
      tpu.enqueue_dma source(%dma_start3A_14 : memref<512xi32, #tpu.memory_space<hbm>>) target(%arg9 : memref<512xi32, #tpu.memory_space<vmem>>) target_semaphore(%run_scoped3A : memref<!tpu.dma_semaphore, #tpu.memory_space<semaphore_mem>>)
      %dma_wait3A_15 = tpu.memref_slice %arg5[%mul3A_2] : memref<16384xi32, #tpu.memory_space<hbm>> -> memref<512xi32, #tpu.memory_space<hbm>>
      %dma_wait3A_16 = tpu.memref_slice %arg5[%mul3A_2] : memref<16384xi32, #tpu.memory_space<hbm>> -> memref<512xi32, #tpu.memory_space<hbm>>
      tpu.wait_dma2 semaphore(%run_scoped3A : memref<!tpu.dma_semaphore, #tpu.memory_space<semaphore_mem>>) src(%dma_wait3A_16 : memref<512xi32, #tpu.memory_space<hbm>>) dst(%arg9 : memref<512xi32, #tpu.memory_space<vmem>>)
      tpu.yield
    }) : () -> ()
    %dma_start3A = arith.constant 0 : i32
    %dma_start3A_3 = arith.constant 0 : i32
    %dma_start3A_4 = tpu.memref_slice %arg2[%dma_start3A, %dma_start3A_3] : memref<100000x32xf32, #tpu.memory_space<hbm>> -> memref<100000x32xf32, #tpu.memory_space<hbm>>
    tpu.enqueue_indirect_dma source(%dma_start3A_4 : memref<100000x32xf32, #tpu.memory_space<hbm>>) target(%arg10 : memref<512x32xf32, #tpu.memory_space<vmem>>) offsets(%arg8 : memref<512xi32, #tpu.memory_space<vmem>>) semaphore(%arg12 : memref<!tpu.dma_semaphore, #tpu.memory_space<semaphore_mem>>)
    %dma_start3A_5 = arith.constant 0 : i32
    %dma_start3A_6 = arith.constant 0 : i32
    %dma_start3A_7 = tpu.memref_slice %arg3[%dma_start3A_5, %dma_start3A_6] : memref<4096x64xf32, #tpu.memory_space<hbm>> -> memref<4096x64xf32, #tpu.memory_space<hbm>>
    tpu.enqueue_indirect_dma source(%dma_start3A_7 : memref<4096x64xf32, #tpu.memory_space<hbm>>) target(%arg11 : memref<512x64xf32, #tpu.memory_space<vmem>>) offsets(%arg9 : memref<512xi32, #tpu.memory_space<vmem>>) semaphore(%arg13 : memref<!tpu.dma_semaphore, #tpu.memory_space<semaphore_mem>>)
    %dma_wait3A = arith.constant 0 : i32
    %dma_wait3A_8 = arith.constant 0 : i32
    %dma_wait3A_9 = tpu.memref_slice %arg2[%dma_wait3A, %dma_wait3A_8] : memref<100000x32xf32, #tpu.memory_space<hbm>> -> memref<100000x32xf32, #tpu.memory_space<hbm>>
    tpu.wait_indirect_dma semaphore(%arg12 : memref<!tpu.dma_semaphore, #tpu.memory_space<semaphore_mem>>) src(%dma_wait3A_9 : memref<100000x32xf32, #tpu.memory_space<hbm>>) dst(%arg10 : memref<512x32xf32, #tpu.memory_space<vmem>>)
    "tpu.region"() ({
      %run_scoped3A = tpu.sem_alloc : memref<!tpu.dma_semaphore, #tpu.memory_space<semaphore_mem>>
      %dma_start3A_13 = arith.constant 0 : i32
      %dma_start3A_14 = tpu.memref_slice %arg6[%mul3A_2, %dma_start3A_13] : memref<16384x32xf32, #tpu.memory_space<hbm>> -> memref<512x32xf32, #tpu.memory_space<hbm>>
      %dma_start3A_15 = arith.constant 0 : i32
      %dma_start3A_16 = tpu.memref_slice %arg6[%mul3A_2, %dma_start3A_15] : memref<16384x32xf32, #tpu.memory_space<hbm>> -> memref<512x32xf32, #tpu.memory_space<hbm>>
      tpu.enqueue_dma source(%arg10 : memref<512x32xf32, #tpu.memory_space<vmem>>) target(%dma_start3A_16 : memref<512x32xf32, #tpu.memory_space<hbm>>) target_semaphore(%run_scoped3A : memref<!tpu.dma_semaphore, #tpu.memory_space<semaphore_mem>>)
      %dma_wait3A_17 = arith.constant 0 : i32
      %dma_wait3A_18 = tpu.memref_slice %arg6[%mul3A_2, %dma_wait3A_17] : memref<16384x32xf32, #tpu.memory_space<hbm>> -> memref<512x32xf32, #tpu.memory_space<hbm>>
      %dma_wait3A_19 = arith.constant 0 : i32
      %dma_wait3A_20 = tpu.memref_slice %arg6[%mul3A_2, %dma_wait3A_19] : memref<16384x32xf32, #tpu.memory_space<hbm>> -> memref<512x32xf32, #tpu.memory_space<hbm>>
      tpu.wait_dma2 semaphore(%run_scoped3A : memref<!tpu.dma_semaphore, #tpu.memory_space<semaphore_mem>>) src(%arg10 : memref<512x32xf32, #tpu.memory_space<vmem>>) dst(%dma_wait3A_20 : memref<512x32xf32, #tpu.memory_space<hbm>>)
      tpu.yield
    }) : () -> ()
    %dma_wait3A_10 = arith.constant 0 : i32
    %dma_wait3A_11 = arith.constant 0 : i32
    %dma_wait3A_12 = tpu.memref_slice %arg3[%dma_wait3A_10, %dma_wait3A_11] : memref<4096x64xf32, #tpu.memory_space<hbm>> -> memref<4096x64xf32, #tpu.memory_space<hbm>>
    tpu.wait_indirect_dma semaphore(%arg13 : memref<!tpu.dma_semaphore, #tpu.memory_space<semaphore_mem>>) src(%dma_wait3A_12 : memref<4096x64xf32, #tpu.memory_space<hbm>>) dst(%arg11 : memref<512x64xf32, #tpu.memory_space<vmem>>)
    "tpu.region"() ({
      %run_scoped3A = tpu.sem_alloc : memref<!tpu.dma_semaphore, #tpu.memory_space<semaphore_mem>>
      %dma_start3A_13 = arith.constant 0 : i32
      %dma_start3A_14 = tpu.memref_slice %arg7[%mul3A_2, %dma_start3A_13] : memref<16384x64xf32, #tpu.memory_space<hbm>> -> memref<512x64xf32, #tpu.memory_space<hbm>>
      %dma_start3A_15 = arith.constant 0 : i32
      %dma_start3A_16 = tpu.memref_slice %arg7[%mul3A_2, %dma_start3A_15] : memref<16384x64xf32, #tpu.memory_space<hbm>> -> memref<512x64xf32, #tpu.memory_space<hbm>>
      tpu.enqueue_dma source(%arg11 : memref<512x64xf32, #tpu.memory_space<vmem>>) target(%dma_start3A_16 : memref<512x64xf32, #tpu.memory_space<hbm>>) target_semaphore(%run_scoped3A : memref<!tpu.dma_semaphore, #tpu.memory_space<semaphore_mem>>)
      %dma_wait3A_17 = arith.constant 0 : i32
      %dma_wait3A_18 = tpu.memref_slice %arg7[%mul3A_2, %dma_wait3A_17] : memref<16384x64xf32, #tpu.memory_space<hbm>> -> memref<512x64xf32, #tpu.memory_space<hbm>>
      %dma_wait3A_19 = arith.constant 0 : i32
      %dma_wait3A_20 = tpu.memref_slice %arg7[%mul3A_2, %dma_wait3A_19] : memref<16384x64xf32, #tpu.memory_space<hbm>> -> memref<512x64xf32, #tpu.memory_space<hbm>>
      tpu.wait_dma2 semaphore(%run_scoped3A : memref<!tpu.dma_semaphore, #tpu.memory_space<semaphore_mem>>) src(%arg11 : memref<512x64xf32, #tpu.memory_space<vmem>>) dst(%dma_wait3A_20 : memref<512x64xf32, #tpu.memory_space<hbm>>)
      tpu.yield
    }) : () -> ()
    return
  }
}

module attributes {stable_mosaic.version = 14 : i64} {
  func.func @_tc_body(%arg0: i32, %arg1: memref<2048x32xf32, #tpu.memory_space<vmem>>, %arg2: memref<2048x64xf32, #tpu.memory_space<vmem>>, %arg3: memref<2048x1xi32, #tpu.memory_space<vmem>>, %arg4: memref<2048x4xf32, #tpu.memory_space<vmem>>, %arg5: memref<96x100xbf16, #tpu.memory_space<vmem>>, %arg6: memref<1x100xf32, #tpu.memory_space<vmem>>, %arg7: memref<100x2048xbf16, #tpu.memory_space<vmem>>, %arg8: memref<132x5xf32, #tpu.memory_space<vmem>>, %arg9: memref<1x5xf32, #tpu.memory_space<vmem>>, %arg10: memref<132x64xf32, #tpu.memory_space<vmem>>, %arg11: memref<1x64xf32, #tpu.memory_space<vmem>>, %arg12: memref<2048x5xf32, #tpu.memory_space<vmem>>, %arg13: memref<2048x64xf32, #tpu.memory_space<vmem>>) attributes {dimension_semantics = [#tpu.dimension_semantics<arbitrary>], iteration_bounds = array<i64: 8>, scalar_prefetch = 0 : i64, scratch_operands = 0 : i64, tpu.core_type = #tpu.core_type<tc>, window_params = [{transform_indices = @transform_0, window_bounds = array<i64: 2048, 32>}, {transform_indices = @transform_1, window_bounds = array<i64: 2048, 64>}, {transform_indices = @transform_2, window_bounds = array<i64: 2048, 1>}, {transform_indices = @transform_3, window_bounds = array<i64: 2048, 4>}, {pipeline_mode = #tpu.pipeline_mode<synchronous>, transform_indices = @transform_4, window_bounds = array<i64: 96, 100>}, {pipeline_mode = #tpu.pipeline_mode<synchronous>, transform_indices = @transform_5, window_bounds = array<i64: 1, 100>}, {pipeline_mode = #tpu.pipeline_mode<synchronous>, transform_indices = @transform_6, window_bounds = array<i64: 100, 2048>}, {pipeline_mode = #tpu.pipeline_mode<synchronous>, transform_indices = @transform_7, window_bounds = array<i64: 132, 5>}, {pipeline_mode = #tpu.pipeline_mode<synchronous>, transform_indices = @transform_8, window_bounds = array<i64: 1, 5>}, {pipeline_mode = #tpu.pipeline_mode<synchronous>, transform_indices = @transform_9, window_bounds = array<i64: 132, 64>}, {pipeline_mode = #tpu.pipeline_mode<synchronous>, transform_indices = @transform_10, window_bounds = array<i64: 1, 64>}, {transform_indices = @transform_11, window_bounds = array<i64: 2048, 5>}, {transform_indices = @transform_12, window_bounds = array<i64: 2048, 64>}]} {
    %get3A = arith.constant 0 : index
    %get3A_0 = arith.constant 0 : index
    %get3A_1 = vector.load %arg1[%get3A, %get3A_0] : memref<2048x32xf32, #tpu.memory_space<vmem>>, vector<2048x32xf32>
    %get3A_2 = arith.constant 0 : index
    %get3A_3 = arith.constant 0 : index
    %get3A_4 = vector.load %arg2[%get3A_2, %get3A_3] : memref<2048x64xf32, #tpu.memory_space<vmem>>, vector<2048x64xf32>
    %concatenate3A = tpu.concatenate %get3A_1, %get3A_4 in 1 : vector<2048x32xf32>, vector<2048x64xf32> -> vector<2048x96xf32>
    %convert_element_type3A = arith.truncf %concatenate3A : vector<2048x96xf32> to vector<2048x96xbf16>
    %get3A_5 = arith.constant 0 : index
    %get3A_6 = arith.constant 0 : index
    %get3A_7 = vector.load %arg5[%get3A_5, %get3A_6] : memref<96x100xbf16, #tpu.memory_space<vmem>>, vector<96x100xbf16>
    %dot_general3A = arith.constant dense<0.000000e+00> : vector<2048x100xf32>
    %dot_general3A_8 = tpu.matmul %convert_element_type3A, %get3A_7, %dot_general3A {dimension_numbers = #tpu.dot_dimension_numbers<[1], [0], [0], [1], [0, 0, 1, 1], [], []>, transpose_lhs_hint = false} : vector<2048x96xbf16>, vector<96x100xbf16>, vector<2048x100xf32> -> vector<2048x100xf32>
    %get3A_9 = arith.constant 0 : index
    %get3A_10 = arith.constant 0 : index
    %get3A_11 = vector.load %arg6[%get3A_9, %get3A_10] : memref<1x100xf32, #tpu.memory_space<vmem>>, vector<1x100xf32>
    %add3A = vector.broadcast %get3A_11 : vector<1x100xf32> to vector<2048x100xf32>
    %add3A_12 = arith.addf %dot_general3A_8, %add3A : vector<2048x100xf32>
    %reduce_max3A = arith.constant dense<0xFF800000> : vector<2048xf32>
    %reduce_max3A_13 = vector.multi_reduction <maximumf>, %add3A_12, %reduce_max3A [1] : vector<2048x100xf32> to vector<2048xf32>
    %broadcast_in_dim3A = vector.shape_cast %reduce_max3A_13 : vector<2048xf32> to vector<2048x1xf32>
    %sub3A = vector.broadcast %broadcast_in_dim3A : vector<2048x1xf32> to vector<2048x100xf32>
    %sub3A_14 = arith.subf %add3A_12, %sub3A : vector<2048x100xf32>
    %exp3A = math.exp %sub3A_14 : vector<2048x100xf32>
    %reduce_sum3A = arith.constant dense<0.000000e+00> : vector<2048xf32>
    %reduce_sum3A_15 = vector.multi_reduction <add>, %exp3A, %reduce_sum3A [1] : vector<2048x100xf32> to vector<2048xf32>
    %broadcast_in_dim3A_16 = vector.shape_cast %reduce_sum3A_15 : vector<2048xf32> to vector<2048x1xf32>
    %div3A = arith.constant 1.000000e+00 : f32
    %div3A_17 = vector.broadcast %div3A : f32 to vector<2048x1xf32>
    %div3A_18 = arith.divf %div3A_17, %broadcast_in_dim3A_16 : vector<2048x1xf32>
    %mul3A = vector.broadcast %div3A_18 : vector<2048x1xf32> to vector<2048x100xf32>
    %mul3A_19 = arith.mulf %exp3A, %mul3A : vector<2048x100xf32>
    %convert_element_type3A_20 = arith.truncf %mul3A_19 : vector<2048x100xf32> to vector<2048x100xbf16>
    %get3A_21 = arith.constant 0 : index
    %get3A_22 = arith.constant 0 : index
    %get3A_23 = vector.load %arg7[%get3A_21, %get3A_22] : memref<100x2048xbf16, #tpu.memory_space<vmem>>, vector<100x2048xbf16>
    %dot_general3A_24 = arith.constant dense<0.000000e+00> : vector<2048x2048xf32>
    %dot_general3A_25 = tpu.matmul %convert_element_type3A_20, %get3A_23, %dot_general3A_24 {dimension_numbers = #tpu.dot_dimension_numbers<[1], [0], [0], [1], [0, 0, 1, 1], [], []>, transpose_lhs_hint = false} : vector<2048x100xbf16>, vector<100x2048xbf16>, vector<2048x2048xf32> -> vector<2048x2048xf32>
    %get3A_26 = arith.constant 0 : index
    %get3A_27 = arith.constant 0 : index
    %get3A_28 = vector.load %arg3[%get3A_26, %get3A_27] : memref<2048x1xi32, #tpu.memory_space<vmem>>, vector<2048x1xi32>
    %ge3A = arith.constant 32 : i32
    %ge3A_29 = vector.broadcast %ge3A : i32 to vector<2048x1xi32>
    %ge3A_30 = arith.cmpi sge, %get3A_28, %ge3A_29 : vector<2048x1xi32>
    %slice3A = vector.extract_strided_slice %dot_general3A_25 {offsets = [0, 1024], sizes = [2048, 1024], strides = [1, 1]} : vector<2048x2048xf32> to vector<2048x1024xf32>
    %slice3A_31 = vector.extract_strided_slice %dot_general3A_25 {offsets = [0, 0], sizes = [2048, 1024], strides = [1, 1]} : vector<2048x2048xf32> to vector<2048x1024xf32>
    %broadcast_in_dim3A_32 = vector.shape_cast %ge3A_30 : vector<2048x1xi1> to vector<2048x1xi1>
    %broadcast_in_dim3A_33 = vector.broadcast %broadcast_in_dim3A_32 : vector<2048x1xi1> to vector<2048x1024xi1>
    %select_n3A = arith.select %broadcast_in_dim3A_33, %slice3A, %slice3A_31 : vector<2048x1024xi1>, vector<2048x1024xf32>
    %sub3A_34 = arith.constant 32 : i32
    %sub3A_35 = vector.broadcast %sub3A_34 : i32 to vector<2048x1xi32>
    %sub3A_36 = arith.subi %get3A_28, %sub3A_35 : vector<2048x1xi32>
    %select_n3A_37 = arith.select %ge3A_30, %sub3A_36, %get3A_28 : vector<2048x1xi1>, vector<2048x1xi32>
    %ge3A_38 = arith.constant 16 : i32
    %ge3A_39 = vector.broadcast %ge3A_38 : i32 to vector<2048x1xi32>
    %ge3A_40 = arith.cmpi sge, %select_n3A_37, %ge3A_39 : vector<2048x1xi32>
    %slice3A_41 = vector.extract_strided_slice %select_n3A {offsets = [0, 512], sizes = [2048, 512], strides = [1, 1]} : vector<2048x1024xf32> to vector<2048x512xf32>
    %slice3A_42 = vector.extract_strided_slice %select_n3A {offsets = [0, 0], sizes = [2048, 512], strides = [1, 1]} : vector<2048x1024xf32> to vector<2048x512xf32>
    %broadcast_in_dim3A_43 = vector.shape_cast %ge3A_40 : vector<2048x1xi1> to vector<2048x1xi1>
    %broadcast_in_dim3A_44 = vector.broadcast %broadcast_in_dim3A_43 : vector<2048x1xi1> to vector<2048x512xi1>
    %select_n3A_45 = arith.select %broadcast_in_dim3A_44, %slice3A_41, %slice3A_42 : vector<2048x512xi1>, vector<2048x512xf32>
    %sub3A_46 = arith.constant 16 : i32
    %sub3A_47 = vector.broadcast %sub3A_46 : i32 to vector<2048x1xi32>
    %sub3A_48 = arith.subi %select_n3A_37, %sub3A_47 : vector<2048x1xi32>
    %select_n3A_49 = arith.select %ge3A_40, %sub3A_48, %select_n3A_37 : vector<2048x1xi1>, vector<2048x1xi32>
    %ge3A_50 = arith.constant 8 : i32
    %ge3A_51 = vector.broadcast %ge3A_50 : i32 to vector<2048x1xi32>
    %ge3A_52 = arith.cmpi sge, %select_n3A_49, %ge3A_51 : vector<2048x1xi32>
    %slice3A_53 = vector.extract_strided_slice %select_n3A_45 {offsets = [0, 256], sizes = [2048, 256], strides = [1, 1]} : vector<2048x512xf32> to vector<2048x256xf32>
    %slice3A_54 = vector.extract_strided_slice %select_n3A_45 {offsets = [0, 0], sizes = [2048, 256], strides = [1, 1]} : vector<2048x512xf32> to vector<2048x256xf32>
    %broadcast_in_dim3A_55 = vector.shape_cast %ge3A_52 : vector<2048x1xi1> to vector<2048x1xi1>
    %broadcast_in_dim3A_56 = vector.broadcast %broadcast_in_dim3A_55 : vector<2048x1xi1> to vector<2048x256xi1>
    %select_n3A_57 = arith.select %broadcast_in_dim3A_56, %slice3A_53, %slice3A_54 : vector<2048x256xi1>, vector<2048x256xf32>
    %sub3A_58 = arith.constant 8 : i32
    %sub3A_59 = vector.broadcast %sub3A_58 : i32 to vector<2048x1xi32>
    %sub3A_60 = arith.subi %select_n3A_49, %sub3A_59 : vector<2048x1xi32>
    %select_n3A_61 = arith.select %ge3A_52, %sub3A_60, %select_n3A_49 : vector<2048x1xi1>, vector<2048x1xi32>
    %ge3A_62 = arith.constant 4 : i32
    %ge3A_63 = vector.broadcast %ge3A_62 : i32 to vector<2048x1xi32>
    %ge3A_64 = arith.cmpi sge, %select_n3A_61, %ge3A_63 : vector<2048x1xi32>
    %slice3A_65 = vector.extract_strided_slice %select_n3A_57 {offsets = [0, 128], sizes = [2048, 128], strides = [1, 1]} : vector<2048x256xf32> to vector<2048x128xf32>
    %slice3A_66 = vector.extract_strided_slice %select_n3A_57 {offsets = [0, 0], sizes = [2048, 128], strides = [1, 1]} : vector<2048x256xf32> to vector<2048x128xf32>
    %broadcast_in_dim3A_67 = vector.shape_cast %ge3A_64 : vector<2048x1xi1> to vector<2048x1xi1>
    %broadcast_in_dim3A_68 = vector.broadcast %broadcast_in_dim3A_67 : vector<2048x1xi1> to vector<2048x128xi1>
    %select_n3A_69 = arith.select %broadcast_in_dim3A_68, %slice3A_65, %slice3A_66 : vector<2048x128xi1>, vector<2048x128xf32>
    %sub3A_70 = arith.constant 4 : i32
    %sub3A_71 = vector.broadcast %sub3A_70 : i32 to vector<2048x1xi32>
    %sub3A_72 = arith.subi %select_n3A_61, %sub3A_71 : vector<2048x1xi32>
    %select_n3A_73 = arith.select %ge3A_64, %sub3A_72, %select_n3A_61 : vector<2048x1xi1>, vector<2048x1xi32>
    %ge3A_74 = arith.constant 2 : i32
    %ge3A_75 = vector.broadcast %ge3A_74 : i32 to vector<2048x1xi32>
    %ge3A_76 = arith.cmpi sge, %select_n3A_73, %ge3A_75 : vector<2048x1xi32>
    %slice3A_77 = vector.extract_strided_slice %select_n3A_69 {offsets = [0, 64], sizes = [2048, 64], strides = [1, 1]} : vector<2048x128xf32> to vector<2048x64xf32>
    %slice3A_78 = vector.extract_strided_slice %select_n3A_69 {offsets = [0, 0], sizes = [2048, 64], strides = [1, 1]} : vector<2048x128xf32> to vector<2048x64xf32>
    %broadcast_in_dim3A_79 = vector.shape_cast %ge3A_76 : vector<2048x1xi1> to vector<2048x1xi1>
    %broadcast_in_dim3A_80 = vector.broadcast %broadcast_in_dim3A_79 : vector<2048x1xi1> to vector<2048x64xi1>
    %select_n3A_81 = arith.select %broadcast_in_dim3A_80, %slice3A_77, %slice3A_78 : vector<2048x64xi1>, vector<2048x64xf32>
    %sub3A_82 = arith.constant 2 : i32
    %sub3A_83 = vector.broadcast %sub3A_82 : i32 to vector<2048x1xi32>
    %sub3A_84 = arith.subi %select_n3A_73, %sub3A_83 : vector<2048x1xi32>
    %select_n3A_85 = arith.select %ge3A_76, %sub3A_84, %select_n3A_73 : vector<2048x1xi1>, vector<2048x1xi32>
    %ge3A_86 = arith.constant 1 : i32
    %ge3A_87 = vector.broadcast %ge3A_86 : i32 to vector<2048x1xi32>
    %ge3A_88 = arith.cmpi sge, %select_n3A_85, %ge3A_87 : vector<2048x1xi32>
    %slice3A_89 = vector.extract_strided_slice %select_n3A_81 {offsets = [0, 32], sizes = [2048, 32], strides = [1, 1]} : vector<2048x64xf32> to vector<2048x32xf32>
    %slice3A_90 = vector.extract_strided_slice %select_n3A_81 {offsets = [0, 0], sizes = [2048, 32], strides = [1, 1]} : vector<2048x64xf32> to vector<2048x32xf32>
    %broadcast_in_dim3A_91 = vector.shape_cast %ge3A_88 : vector<2048x1xi1> to vector<2048x1xi1>
    %broadcast_in_dim3A_92 = vector.broadcast %broadcast_in_dim3A_91 : vector<2048x1xi1> to vector<2048x32xi1>
    %select_n3A_93 = arith.select %broadcast_in_dim3A_92, %slice3A_89, %slice3A_90 : vector<2048x32xi1>, vector<2048x32xf32>
    %get3A_94 = arith.constant 0 : index
    %get3A_95 = arith.constant 0 : index
    %get3A_96 = vector.load %arg4[%get3A_94, %get3A_95] : memref<2048x4xf32, #tpu.memory_space<vmem>>, vector<2048x4xf32>
    %concatenate3A_97 = tpu.concatenate %get3A_1, %select_n3A_93, %get3A_4, %get3A_96 in 1 : vector<2048x32xf32>, vector<2048x32xf32>, vector<2048x64xf32>, vector<2048x4xf32> -> vector<2048x132xf32>
    %get3A_98 = arith.constant 0 : index
    %get3A_99 = arith.constant 0 : index
    %get3A_100 = vector.load %arg8[%get3A_98, %get3A_99] : memref<132x5xf32, #tpu.memory_space<vmem>>, vector<132x5xf32>
    %dot_general3A_101 = arith.constant dense<0.000000e+00> : vector<2048x5xf32>
    %dot_general3A_102 = tpu.matmul %concatenate3A_97, %get3A_100, %dot_general3A_101 {dimension_numbers = #tpu.dot_dimension_numbers<[1], [0], [0], [1], [0, 0, 1, 1], [], []>, transpose_lhs_hint = false} : vector<2048x132xf32>, vector<132x5xf32>, vector<2048x5xf32> -> vector<2048x5xf32>
    %get3A_103 = arith.constant 0 : index
    %get3A_104 = arith.constant 0 : index
    %get3A_105 = vector.load %arg9[%get3A_103, %get3A_104] : memref<1x5xf32, #tpu.memory_space<vmem>>, vector<1x5xf32>
    %add3A_106 = vector.broadcast %get3A_105 : vector<1x5xf32> to vector<2048x5xf32>
    %add3A_107 = arith.addf %dot_general3A_102, %add3A_106 : vector<2048x5xf32>
    %swap3A = arith.constant 0 : index
    %swap3A_108 = arith.constant 0 : index
    %swap3A_109 = vector.load %arg12[%swap3A, %swap3A_108] : memref<2048x5xf32, #tpu.memory_space<vmem>>, vector<2048x5xf32>
    tpu.vector_store %arg12[%swap3A, %swap3A_108], %add3A_107 {strides = array<i32>} : memref<2048x5xf32, #tpu.memory_space<vmem>>, vector<2048x5xf32>,
    %get3A_110 = arith.constant 0 : index
    %get3A_111 = arith.constant 0 : index
    %get3A_112 = vector.load %arg10[%get3A_110, %get3A_111] : memref<132x64xf32, #tpu.memory_space<vmem>>, vector<132x64xf32>
    %dot_general3A_113 = arith.constant dense<0.000000e+00> : vector<2048x64xf32>
    %dot_general3A_114 = tpu.matmul %concatenate3A_97, %get3A_112, %dot_general3A_113 {dimension_numbers = #tpu.dot_dimension_numbers<[1], [0], [0], [1], [0, 0, 1, 1], [], []>, transpose_lhs_hint = false} : vector<2048x132xf32>, vector<132x64xf32>, vector<2048x64xf32> -> vector<2048x64xf32>
    %get3A_115 = arith.constant 0 : index
    %get3A_116 = arith.constant 0 : index
    %get3A_117 = vector.load %arg11[%get3A_115, %get3A_116] : memref<1x64xf32, #tpu.memory_space<vmem>>, vector<1x64xf32>
    %add3A_118 = vector.broadcast %get3A_117 : vector<1x64xf32> to vector<2048x64xf32>
    %add3A_119 = arith.addf %dot_general3A_114, %add3A_118 : vector<2048x64xf32>
    %swap3A_120 = arith.constant 0 : index
    %swap3A_121 = arith.constant 0 : index
    %swap3A_122 = vector.load %arg13[%swap3A_120, %swap3A_121] : memref<2048x64xf32, #tpu.memory_space<vmem>>, vector<2048x64xf32>
    tpu.vector_store %arg13[%swap3A_120, %swap3A_121], %add3A_119 {strides = array<i32>} : memref<2048x64xf32, #tpu.memory_space<vmem>>, vector<2048x64xf32>,
    return
  }
  func.func @transform_0(%arg0: i32) -> (i32, i32) {
    %c0_i32 = arith.constant 0 : i32
    %c0_i32_0 = arith.constant 0 : i32
    return %arg0, %c0_i32 : i32, i32
  }
  func.func @transform_1(%arg0: i32) -> (i32, i32) {
    %c0_i32 = arith.constant 0 : i32
    %c0_i32_0 = arith.constant 0 : i32
    return %arg0, %c0_i32 : i32, i32
  }
  func.func @transform_2(%arg0: i32) -> (i32, i32) {
    %c0_i32 = arith.constant 0 : i32
    %c0_i32_0 = arith.constant 0 : i32
    return %arg0, %c0_i32 : i32, i32
  }
  func.func @transform_3(%arg0: i32) -> (i32, i32) {
    %c0_i32 = arith.constant 0 : i32
    %c0_i32_0 = arith.constant 0 : i32
    return %arg0, %c0_i32 : i32, i32
  }
  func.func @transform_4(%arg0: i32) -> (i32, i32) {
    %c0_i32 = arith.constant 0 : i32
    %c0_i32_0 = arith.constant 0 : i32
    %c0_i32_1 = arith.constant 0 : i32
    return %c0_i32, %c0_i32_0 : i32, i32
  }
  func.func @transform_5(%arg0: i32) -> (i32, i32) {
    %c0_i32 = arith.constant 0 : i32
    %c0_i32_0 = arith.constant 0 : i32
    %c0_i32_1 = arith.constant 0 : i32
    return %c0_i32, %c0_i32_0 : i32, i32
  }
  func.func @transform_6(%arg0: i32) -> (i32, i32) {
    %c0_i32 = arith.constant 0 : i32
    %c0_i32_0 = arith.constant 0 : i32
    %c0_i32_1 = arith.constant 0 : i32
    return %c0_i32, %c0_i32_0 : i32, i32
  }
  func.func @transform_7(%arg0: i32) -> (i32, i32) {
    %c0_i32 = arith.constant 0 : i32
    %c0_i32_0 = arith.constant 0 : i32
    %c0_i32_1 = arith.constant 0 : i32
    return %c0_i32, %c0_i32_0 : i32, i32
  }
  func.func @transform_8(%arg0: i32) -> (i32, i32) {
    %c0_i32 = arith.constant 0 : i32
    %c0_i32_0 = arith.constant 0 : i32
    %c0_i32_1 = arith.constant 0 : i32
    return %c0_i32, %c0_i32_0 : i32, i32
  }
  func.func @transform_9(%arg0: i32) -> (i32, i32) {
    %c0_i32 = arith.constant 0 : i32
    %c0_i32_0 = arith.constant 0 : i32
    %c0_i32_1 = arith.constant 0 : i32
    return %c0_i32, %c0_i32_0 : i32, i32
  }
  func.func @transform_10(%arg0: i32) -> (i32, i32) {
    %c0_i32 = arith.constant 0 : i32
    %c0_i32_0 = arith.constant 0 : i32
    %c0_i32_1 = arith.constant 0 : i32
    return %c0_i32, %c0_i32_0 : i32, i32
  }
  func.func @transform_11(%arg0: i32) -> (i32, i32) {
    %c0_i32 = arith.constant 0 : i32
    %c0_i32_0 = arith.constant 0 : i32
    return %arg0, %c0_i32 : i32, i32
  }
  func.func @transform_12(%arg0: i32) -> (i32, i32) {
    %c0_i32 = arith.constant 0 : i32
    %c0_i32_0 = arith.constant 0 : i32
    return %arg0, %c0_i32 : i32, i32
  }
}

</mosaic_0001>

<sc_bundles>
// kernel: kernel.4.cloned.1.call-start
scs
__scs_entry_jumppad:
0x0: {  	(pc) =	sbr.rel $0x88, $3  }
0x1: {  	(tag) =	ssettag $0x0;
	lr =	simm.s32 $0x1  }
0x2: {  	[smem:$0x3F94] =	sst lr;
	_ =	strace $0xD0000000  }
0x3: {  	_ = 	snop  }
0x4: {  	_ = 	snop  }
0x5: {  	_ = 	snop  }
0x6: {  	_ = 	snop  }
0x7: {  	_ = 	snop  }
__scs_overlays_trampoline_lowered:
0x8: {  	[smem:$0x3FA3] =	sst s0  }
0x9: {  	[smem:$0x3FA4] =	sst s1  }
0xa: {  	[smem:$0x3FA5] =	sst s2  }
0xb: {  	[smem:$0x3FA6] =	sst s3  }
0xc: {  	[smem:$0x3FA7] =	sst s4  }
0xd: {  	[smem:$0x3FA8] =	sst s5  }
0xe: {  	[smem:$0x3FA9] =	sst s6  }
0xf: {  	[smem:$0x3FAA] =	sst s7  }
0x10: {  	[smem:$0x3FAB] =	sst s8  }
0x11: {  	[smem:$0x3FAC] =	sst s9;
	s0 =	simm.s32 @!p0 $0x0  }
0x12: {  	s1 =	sld [smem:$0x3F92];
	s0 =	simm.s32 @p0 $0x1  }
0x13: {  	[smem:$0x3FAD] =	sst s0;
	s0 =	simm.s32 @!p1 $0x0  }
0x14: {  	s2 =	sld [smem:$0x3F91];
	s0 =	simm.s32 @p1 $0x1  }
0x15: {  	[smem:$0x3FAE] =	sst s0;
	s0 =	simm.s32 @!p2 $0x0  }
0x16: {  	s3 =	sld [smem:$0x3FDB];
	s0 =	simm.s32 @p2 $0x1  }
0x17: {  	s4 =	simm.s32 $0x1BF5;
	[smem:$0x3FB0] =	sst s0  }
0x18: {  	s0 =	sld [smem:$0x3F93];
	_ =	swait.ge [sflag:s4], $0x0  }
0x19: {  	s7 =	sld [smem:$0x3F94]  }
0x1a: {  	s8 =	sadd.s32 $0xFFFFE003, lr  }
0x1b: {  	s9 =	sadd.s32 $0xFFFFFEF7, lr;
	s5 =	simm.s32 $0xFFFFFFFF;
	p2 =	slt.u32 s8, $0xFFFFF086  }
0x1c: {  	p1 =	slt.u32 s9, $0xF7A;
	s5 =	simm.s32 @!p2 $0x0  }
0x1d: {  	s5 =	simm.s32 @p1 $0x1;
	p0 =	seq.s32 s7, s2  }
0x1e: {  	s7 =	smul.u32 @!p0 $0xF7A, s2;
	p2 =	seq.s32 @!p0 s5, $0x0  }
0x1f: {  	s9 =	smul.u32 $0xF7A, s1;
	s8 =	simm.s32 @!p0 $0x1BF5;
	p2 =	por !p2, p0  }
0x20: {  	[sflag:s8] =	ssyncset.s32 @!p0 $0xFFFFF086;
	s6 =	sadd.s32 @!p0 s3, s7;
	s7 =	simm.s32 @!p0 $0x108  }
0x21: {  	s3 =	sadd.s32 s3, s9;
	s6 =	sadd.s32 @!p0 $0x88, s6;
	s7 =	simm.s32 @p2 $0x1082  }
0x22: {  	[simem:s7], [sflag:s8] =	dma.local @!p0 [hbm:s6], $0xF7A  }
0x23: {  	s9 =	sor.u32 $0xD0000000, s2;
	s6 =	simm.s32 $0x108;
	_ =	swait.ge @!p0 [sflag:s8], $0x0  }
0x24: {  	s3 =	sadd.s32 $0x88, s3;
	s6 =	simm.s32 @!p1 $0x1082;
	[sflag:s4] =	ssyncset.s32 $0xFFFFF086  }
0x25: {  	[simem:s6], [sflag:s4] =	dma.local [hbm:s3], $0xF7A  }
0x26: {  	[smem:$0x3F94] =	sst s1;
	(tag) =	ssettag s2;
	_ =	strace s9  }
0x27: {  	s1 =	sld [smem:$0x3FA4]  }
0x28: {  	s2 =	sld [smem:$0x3FA5]  }
0x29: {  	s4 =	sld [smem:$0x3FA7]  }
0x2a: {  	p0 =	seq.s32 s5, $0x0;
	s5 =	sld [smem:$0x3FA8]  }
0x2b: {  	s6 =	sld [smem:$0x3FA9]  }
0x2c: {  	s7 =	sld [smem:$0x3FAA]  }
0x2d: {  	s3 =	simm.s32 $0x108;
	s8 =	sld [smem:$0x3FAB]  }
0x2e: {  	s3 =	simm.s32 @!p0 $0x1082;
	s9 =	sld [smem:$0x3FAC]  }
0x2f: {  	lr =	sadd.s32 s0, s3;
	s0 =	sld [smem:$0x3FA3]  }
0x30: {  	s3 =	sld [smem:$0x3FA6]  }
0x31: {  	[smem:$0x3FAF] =	sst s10  }
0x32: {  	s10 =	sld [smem:$0x3FAD];
	_ =	sdelay $0x3  }
0x33: {  	p0 =	seq.s32 s10, $0x1;
	s10 =	sld [smem:$0x3FAF];
	_ =	sdelay $0x3  }
0x34: {  	[smem:$0x3FAF] =	sst s10  }
0x35: {  	s10 =	sld [smem:$0x3FAE];
	_ =	sdelay $0x3  }
0x36: {  	p1 =	seq.s32 s10, $0x1;
	s10 =	sld [smem:$0x3FAF];
	_ =	sdelay $0x3  }
0x37: {  	[smem:$0x3FAF] =	sst s10  }
0x38: {  	s10 =	sld [smem:$0x3FB0]  }
0x39: {  	_ = 	snop;
	(pc) =	sbr.ind lr, $3  }
0x3a: {  	_ = 	snop  }
0x3b: {  	_ = 	snop  }
0x3c: {  	p2 =	seq.s32 s10, $0x1;
	s10 =	sld [smem:$0x3FAF]  }
0x3d: {  	_ =	shalt  }
0x3e: {  	_ =	shalt  }
0x3f: {  	_ =	shalt  }
0x40: {  	_ =	shalt  }
0x41: {  	_ =	shalt  }
0x42: {  	_ =	shalt  }
0x43: {  	_ =	shalt  }
0x44: {  	_ =	shalt  }
0x45: {  	_ =	shalt  }
0x46: {  	_ =	shalt  }
0x47: {  	_ =	shalt  }
0x48: {  	_ =	shalt  }
0x49: {  	_ =	shalt  }
0x4a: {  	_ =	shalt  }
0x4b: {  	_ =	shalt  }
0x4c: {  	_ =	shalt  }
0x4d: {  	_ =	shalt  }
0x4e: {  	_ =	shalt  }
0x4f: {  	_ =	shalt  }
0x50: {  	_ =	shalt  }
0x51: {  	_ =	shalt  }
0x52: {  	_ =	shalt  }
0x53: {  	_ =	shalt  }
0x54: {  	_ =	shalt  }
0x55: {  	_ =	shalt  }
0x56: {  	_ =	shalt  }
0x57: {  	_ =	shalt  }
0x58: {  	_ =	shalt  }
0x59: {  	_ =	shalt  }
0x5a: {  	_ =	shalt  }
0x5b: {  	_ =	shalt  }
0x5c: {  	_ =	shalt  }
0x5d: {  	_ =	shalt  }
0x5e: {  	_ =	shalt  }
0x5f: {  	_ =	shalt  }
0x60: {  	_ =	shalt  }
0x61: {  	_ =	shalt  }
0x62: {  	_ =	shalt  }
0x63: {  	_ =	shalt  }
0x64: {  	_ =	shalt  }
0x65: {  	_ =	shalt  }
0x66: {  	_ =	shalt  }
0x67: {  	_ =	shalt  }
0x68: {  	_ =	shalt  }
0x69: {  	_ =	shalt  }
0x6a: {  	_ =	shalt  }
0x6b: {  	_ =	shalt  }
0x6c: {  	_ =	shalt  }
0x6d: {  	_ =	shalt  }
0x6e: {  	_ =	shalt  }
0x6f: {  	_ =	shalt  }
0x70: {  	_ =	shalt  }
0x71: {  	_ =	shalt  }
0x72: {  	_ =	shalt  }
0x73: {  	_ =	shalt  }
0x74: {  	_ =	shalt  }
0x75: {  	_ =	shalt  }
0x76: {  	_ =	shalt  }
0x77: {  	_ =	shalt  }
0x78: {  	_ =	shalt  }
0x79: {  	_ =	shalt  }
0x7a: {  	_ =	shalt  }
0x7b: {  	_ =	shalt  }
0x7c: {  	_ =	shalt  }
0x7d: {  	_ =	shalt  }
0x7e: {  	_ =	shalt  }
0x7f: {  	_ =	shalt  }
0x80: {  	_ =	shalt  }
0x81: {  	_ =	shalt  }
0x82: {  	_ =	shalt  }
0x83: {  	_ =	shalt  }
0x84: {  	_ =	shalt  }
0x85: {  	_ =	shalt  }
0x86: {  	_ =	shalt  }
0x87: {  	_ =	shalt  }
.Lfunc_end0:
.L_simem_size_0:
called_computation_lowered:
.L_overlay_start_0:
0x88: {  	s2 =	sld [smem:$0x3FD9]  }
0x89: {  	s3 =	sld [smem:$0x3FFE];
	_ =	sdelay $0x1  }
0x8a: {  	s1 =	srdreg.scid  }
0x8b: {  	s0 =	sand.u32 $0x1, s1  }
0x8c: {  	s14 =	sshll.u32 s0, $0xA;
	s2 =	sadd.s32 s3, s2  }
0x8d: {  	s2 =	sadd.s32 s2, s14  }
0x8e: {  	[smem:$0x3FBB] =	sst s2  }
0x8f: {  	_ = 	snop  }
0x90: {  	s2 =	sld [smem:$0x3FD0];
	_ =	sdelay $0x1  }
0x91: {  	s15 =	sld [smem:$0x3FC9]  }
0x92: {  	s5 =	simm.s32 $0xA;
	s6 =	simm.s32 $0x10;
	s4 =	sld [smem:$0x3FC7]  }
0x93: {  	[smem:s6], [sflag:s5] =	dma.local [hbm:s2], $0x1  }
0x94: {  	_ =	swait.eq [sflag:s5], $0x1  }
0x95: {  	[sflag:s5] =	ssyncset.done $0x0  }
0x96: {  	[sflag:s5] =	ssyncadd.s32 $0xFFFFFFFF  }
0x97: {  	s16 =	sld [smem:$0x11];
	(tm) =	ssettm $0x1  }
0x98: {  	s17 =	sld [smem:$0x3FFB];
	_ =	sdelay $0x3  }
0x99: {  	_ =	strace s17  }
0x9a: {  	s5 =	sld [smem:$0x3FFC];
	_ =	sdelay $0x3  }
0x9b: {  	_ =	strace s5  }
0x9c: {  	s5 =	sld [smem:$0x3FFD];
	_ =	sdelay $0x3  }
0x9d: {  	_ =	strace s5  }
0x9e: {  	_ =	strace $0x8FFFFFFF  }
0x9f: {  	s18 =	sld [smem:$0x3FDB];
	_ =	sdelay $0x1  }
0xa0: {  	s19 =	simm.s32 $_scs_section_size  }
0xa1: {  	s7 =	simm.s32 $_size__tile_overlayer_lowered;
	s8 =	simm.s32 $_tile_overlayer_lowered  }
0xa2: {  	s22 =	simm.s32 $0x1BFF;
	s21 =	sshll.u32 s8, $0x1;
	s5 =	sadd.s32 s19, s18  }
0xa3: {  	s9 =	simm.s32 $0x0;
	s20 =	sshll.u32 s7, $0x1;
	s7 =	sadd.s32 s21, s5  }
0xa4: {  	[timem:s9], [sflag:s22] =	dma.local [hbm:s7], s20  }
0xa5: {  	_ =	swait.ge [sflag:s22], s20  }
0xa6: {  	s6 =	ssub.s32 $0x0, s20;
	[sflag:s22] =	ssyncset.done $0x0  }
0xa7: {  	[sflag:s22] =	ssyncadd.s32 s6;
	_ =	sdelay $0x1  }
0xa8: {  	s23 =	simm.s32 $0x1B8B  }
0xa9: {  	_ =	swait.ge [sflag:s23], $0x1  }
0xaa: {  	[sflag:s23] =	ssyncset.done $0x0  }
0xab: {  	s25 =	simm.s32 $0x1B8E;
	s24 =	sld [smem:$0x3FFE];
	[sflag:s23] =	ssyncadd.s32 $0xFFFFFFFF  }
0xac: {  	s26 =	simm.s32 $execute0_lowered;
	[smem:$0x3FD2] =	sst s25  }
0xad: {  	s7 =	sshll.u32 s26, $0x1;
	_ =	strace $0x80000046;
	[dreg:$0x1] =	wrdreg $0xFFFFFFFF  }
0xae: {  	s28 =	simm.s32 $_size_execute0_lowered;
	s5 =	sadd.s32 s5, s7;
	[dreg:$0x0] =	wrdreg $0x0  }
0xaf: {  	s7 =	sshll.u32 s28, $0x1;
	[dreg:$0x2] =	wrdreg s5  }
0xb0: {  	[dreg:$0x3] =	wrdreg s7  }
0xb1: {  	[dreg:$0x4] =	wrdreg $0xC0  }
0xb2: {  	_ =	task [dreg:s9], $0x5FFFF  }
0xb3: {  	[dreg:$0x1] =	wrdreg $0xFFFFFFFF  }
0xb4: {  	[dreg:$0x0] =	wrdreg $0x60  }
0xb5: {  	[dreg:$0x2] =	wrdreg s24  }
0xb6: {  	[dreg:$0x3] =	wrdreg s15  }
0xb7: {  	[dreg:$0x4] =	wrdreg s4  }
0xb8: {  	[dreg:$0x5] =	wrdreg s16  }
0xb9: {  	[dreg:$0x6] =	wrdreg $0x9  }
0xba: {  	_ =	task.clear_ibuf [dreg:s9], $0x7FFFF;
	_ =	strace $0x90000046  }
0xbb: {  	s29 =	simm.s32 $0x9;
	_ =	strace $0x80000048  }
0xbc: {  	_ =	swait.ge [sflag:s29], $0x1  }
0xbd: {  	[sflag:s29] =	ssyncadd.s32 $0xFFFFFFFF  }
0xbe: {  	_ =	strace $0x90000048  }
0xbf: {  	_ =	sfence  }
0xc0: {  	s30 =	sld [smem:$0x0];
	_ =	sdelay $0x2  }
0xc1: {  	s31 =	sshll.u32 s1, $0xD;
	s1 =	sshrl.u32 s1, $0x2  }
0xc2: {  	s3 =	sand.u32 $0x4000, s31;
	s1 =	sadd.s32 s1, s30  }
0xc3: {  	s0 =	sor.u32 s3, s0;
	s1 =	sshll.u32 s1, $0x11  }
0xc4: {  	s0 =	sor.u32 s1, s0  }
0xc5: {  	s0 =	sadd.s32 $0x8F2B, s0  }
0xc6: {  	[sflag:s0] =	ssyncadd.remote.s32 $0x1  }
0xc7: {  	_ =	sfence.sel $0xFFFF  }
0xc8: {  	[dreg:$0x0] =	wrdreg $0xFFFFFFFF;
	(pc) =	sbr.abs _section_cstart, $3  }
0xc9: {  	[dreg:$0x1] =	wrdreg $0xFFFFFFFF  }
0xca: {  	_ =	task.clear_ibuf [dreg:s9], $0x2FFFF;
	_ =	strace $0x9FFFFFFF  }
0xcb: {  	(tm) =	ssettm $0x7FFFFFFF  }
tec
execute0_lowered:
.L_overlay_start_1:
0x0: {  	(tag) =	ssettag $0x1  }
0x1: {  	s12 =	rddreg [dreg:$0x0]  }
0x2: {  	s3 =	rddreg [dreg:$0x1];
	s1 =	srdreg.scid  }
0x3: {  	s5 =	rddreg [dreg:$0x2];
	s0 =	stileid.u32;
	s13 =	sand.u32 $0x1, s1  }
0x4: {  	s14 =	rddreg [dreg:$0x3];
	s4 =	sshll.u32 s0, $0xA;
	s6 =	sshll.u32 s13, $0x9  }
0x5: {  	s2 =	simm.s32 $0x0;
	s1 =	rddreg [dreg:$0x4];
	s15 =	sor.u32 s6, s4  }
0x6: {  	[smem:$0x7FF] =	sst s2;
	s6 =	sshrl.u32 s15, $0x3  }
0x7: {  	_ =	strace $0x80000047;
	s4 =	sadd.s32 s3, s6;
	s3 =	simm.s32 $0x3  }
0x8: {  	[tilespmem:s2], [sflag:$0x3] =	stream.linear.gather [hbm4b:s4+s2], $0x200, $0x38;
	[tilespmem:$0xC400] =	vst v63  }
0x9: {  	_ =	swait.ge [sflag:s3], $0x200  }
0xa: {  	[sflag:s3] =	ssyncset.done $0x0  }
0xb: {  	s5 =	sadd.s32 s5, s6;
	s6 =	simm.s32 $0x200;
	[sflag:s3] =	ssyncadd.s32 $0xFFFFFE00  }
0xc: {  	[tilespmem:s6], [sflag:$0x3] =	stream.linear.gather [hbm4b:s5+s2], $0x200, $0x38;
	[tilespmem:$0xC400] =	vst v63  }
0xd: {  	_ =	swait.ge [sflag:s3], $0x200  }
0xe: {  	[sflag:s3] =	ssyncset.done $0x0  }
0xf: {  	s8 =	simm.s32 $0x400;
	s7 =	sadd.s32 $0x188A00, s12;
	[sflag:s3] =	ssyncadd.s32 $0xFFFFFE00  }
0x10: {  	[tilespmem:s8], [sflag:$0x1] =	stream.indirect.gather [hbm4b:s7+s6], $0x20, s2, s6, $0xb8;
	[tilespmem:$0xC400] =	vst v63  }
0x11: {  	s10 =	simm.s32 $0x4400;
	s11 =	simm.s32 $0x1;
	s9 =	sadd.s32 $0x2000, s12  }
0x12: {  	[tilespmem:s10], [sflag:$0x2] =	stream.indirect.gather [hbm4b:s9+s6], $0x40, s6, s6, $0xb8;
	[tilespmem:$0xC400] =	vst v63  }
0x13: {  	s16 =	sshll.u32 s15, $0x2;
	_ =	swait.ge [sflag:s11], $0x4000  }
0x14: {  	s12 =	sadd.s32 s16, s12;
	[sflag:s11] =	ssyncset.done $0x0  }
0x15: {  	s30 =	ssub.s32 $0x2, s13;
	s12 =	sadd.s32 $0xA000, s12;
	[sflag:s11] =	ssyncadd.s32 $0xFFFFC000  }
0x16: {  	[hbm4b:s12+s2] =	stream.linear.scatter [tilespmem:s8], [sflag:$0x3], $0x4000, $0x38;
	[tilespmem:$0xC400] =	vst v63  }
0x17: {  	s17 =	sshrl.u32 s30, $0x1;
	_ =	swait.ge [sflag:s3], $0x4000  }
0x18: {  	s16 =	ssub.s32 s30, s17;
	[sflag:s3] =	ssyncset.done $0x0  }
0x19: {  	s13 =	simm.s32 $0x2;
	s31 =	smax.u32 s16, $0x1;
	[sflag:s3] =	ssyncadd.s32 $0xFFFFC000  }
0x1a: {  	p0 =	sne.s32 s31, $0x1;
	_ =	swait.ge [sflag:s13], $0x8000  }
.Ltmp0:
0x1b: {  	s15 =	sshll.u32 s15, $0x3;
	[sflag:s13] =	ssyncset.done $0x0;
	(pc) =	sbr.rel @!p0 .LBB2_2-.Ltmp0, $4  }
0x1c: {  	s14 =	sadd.s32 s14, s15;
	[sflag:s13] =	ssyncadd.s32 $0xFFFF8000  }
0x1d: {  	[hbm4b:s14+s2] =	stream.linear.scatter [tilespmem:s10], [sflag:$0x3], $0x8000, $0x38;
	[tilespmem:$0xC400] =	vst v63  }
0x1e: {  	_ =	swait.ge [sflag:s3], $0x8000  }
0x1f: {  	s15 =	sadd.s32 $0xFFFFFFFF, s31;
	[sflag:s3] =	ssyncset.done $0x0  }
.LBB2_1:
0x20: {  	p0 =	sne.s32 s15, $0x1;
	s15 =	sadd.s32 $0xFFFFFFFF, s15;
	[sflag:s3] =	ssyncadd.s32 $0xFFFF8000  }
0x21: {  	[tilespmem:s2], [sflag:$0x3] =	stream.linear.gather [hbm4b:s4+s2], $0x200, $0x38;
	[tilespmem:$0xC400] =	vst v63  }
0x22: {  	_ =	swait.ge [sflag:s3], $0x200  }
0x23: {  	[sflag:s3] =	ssyncset.done $0x0  }
0x24: {  	[sflag:s3] =	ssyncadd.s32 $0xFFFFFE00  }
0x25: {  	[tilespmem:s6], [sflag:$0x3] =	stream.linear.gather [hbm4b:s5+s2], $0x200, $0x38;
	[tilespmem:$0xC400] =	vst v63  }
0x26: {  	_ =	swait.ge [sflag:s3], $0x200  }
0x27: {  	[sflag:s3] =	ssyncset.done $0x0  }
0x28: {  	[sflag:s3] =	ssyncadd.s32 $0xFFFFFE00  }
0x29: {  	[tilespmem:s8], [sflag:$0x1] =	stream.indirect.gather [hbm4b:s7+s6], $0x20, s2, s6, $0xb8;
	[tilespmem:$0xC400] =	vst v63  }
0x2a: {  	_ = 	snop  }
0x2b: {  	[tilespmem:s10], [sflag:$0x2] =	stream.indirect.gather [hbm4b:s9+s6], $0x40, s6, s6, $0xb8;
	[tilespmem:$0xC400] =	vst v63  }
0x2c: {  	_ =	swait.ge [sflag:s11], $0x4000  }
0x2d: {  	[sflag:s11] =	ssyncset.done $0x0  }
0x2e: {  	[sflag:s11] =	ssyncadd.s32 $0xFFFFC000  }
0x2f: {  	[hbm4b:s12+s2] =	stream.linear.scatter [tilespmem:s8], [sflag:$0x3], $0x4000, $0x38;
	[tilespmem:$0xC400] =	vst v63  }
0x30: {  	_ =	swait.ge [sflag:s3], $0x4000  }
0x31: {  	[sflag:s3] =	ssyncset.done $0x0  }
0x32: {  	[sflag:s3] =	ssyncadd.s32 $0xFFFFC000  }
0x33: {  	_ =	swait.ge [sflag:s13], $0x8000  }
.Ltmp1:
0x34: {  	[sflag:s13] =	ssyncset.done $0x0;
	(pc) =	sbr.rel @p0 .LBB2_1-.Ltmp1, $4  }
0x35: {  	[sflag:s13] =	ssyncadd.s32 $0xFFFF8000  }
0x36: {  	[hbm4b:s14+s2] =	stream.linear.scatter [tilespmem:s10], [sflag:$0x3], $0x8000, $0x38;
	[tilespmem:$0xC400] =	vst v63  }
0x37: {  	_ =	swait.ge [sflag:s3], $0x8000  }
0x38: {  	[sflag:s3] =	ssyncset.done $0x0  }
.LBB2_2:
0x39: {  	[sflag:s3] =	ssyncadd.s32 $0xFFFF8000  }
0x3a: {  	_ =	sfence.sel $0x180000  }
0x3b: {  	[bflag:$0x0] =	sbarrier.arrive $0xFFFF  }
0x3c: {  	p0 =	sne.s32 s0, $0x0;
	_ =	strace $0x90000047  }
0x3d: {  	s0 =	sadd.s32 @!p0 $0x100000, s1;
	[bflag:$0x2] =	sbarrier.arrive $0xFFFF  }
0x3e: {  	[sflag:s0] =	ssyncadd.tile.s32 @!p0 $0x1;
	_ =	shalt  }
.Lfunc_end2:
_tile_overlayer_lowered:
.L_overlay_start_2:
0x3f: {  	(tag) =	ssettag $0x2  }
0x40: {  	s0 =	rddreg [dreg:$0x0];
	s2 =	stileid.u32  }
0x41: {  	s1 =	rddreg [dreg:$0x1];
	p0 =	sne.s32 s2, $0x0  }
0x42: {  	s3 =	rddreg [dreg:$0x2];
	[bflag:$0x3] =	sbarrier.arrive $0xFFFF;
	s2 =	simm.s32 @!p0 $0x1C03  }
0x43: {  	[timem:s3], [sflag:s2] =	dma.local @!p0 [hbm:s0], s1  }
0x44: {  	s0 =	simm.s32 @!p0 $0x3  }
0x45: {  	_ =	swait.ge @!p0 [sflag:s0], s1  }
0x46: {  	s1 =	ssub.s32 @!p0 $0x0, s1;
	[sflag:s0] =	ssyncset.done @!p0 $0x0  }
0x47: {  	[sflag:s0] =	ssyncadd.s32 @!p0 s1  }
0x48: {  	[bflag:$0x3] =	sbarrier.arrive $0xFFFF  }
0x49: {  	_ =	shalt  }

</sc_bundles>
